<compile_context>
chip_gen: v7x
topology: tpu7x:2x2x1
jax: 0.10.2.dev20260603
libtpu: 0.0.44.dev20260713+nightly
codegen_flags: <defaults>
</compile_context>

<pallas_src>
import functools

import jax
import jax.numpy as jnp
from jax import lax
from jax.experimental import pallas as pl
from jax.experimental.pallas import tpu as pltpu, tpu_sc as plsc

MAX_POS = 8192
EMB = 128

_info = plsc.get_sparse_core_info()
_NC, _NS = _info.num_cores, _info.num_subcores
_NW = _NC * _NS

_ROWS, _COLS = 4, 8192
_B = _ROWS * _COLS
_PER_W = _B // _NW
_WPR = _COLS // _PER_W
_GB = 128
_NG = _PER_W // _GB
_K = 6


def _make_kernel():
    mesh = plsc.VectorSubcoreMesh(core_axis_name="c", subcore_axis_name="s")

    @functools.partial(
        pl.kernel,
        mesh=mesh,
        out_type=jax.ShapeDtypeStruct((_B, EMB), jnp.float32),
        scratch_types=[
            pltpu.VMEM((_PER_W,), jnp.int32),
        ]
        + [pltpu.VMEM((_GB, EMB), jnp.float32) for _ in range(_K)]
        + [pltpu.SemaphoreType.DMA for _ in range(2 * _K)],
    )
    def gather_kernel(idx_hbm, table_hbm, out_hbm, idx_v, *bufs_and_sems):
        bufs = bufs_and_sems[:_K]
        gsems = bufs_and_sems[_K : 2 * _K]
        wsems = bufs_and_sems[2 * _K : 3 * _K]
        wid = lax.axis_index("s") * _NC + lax.axis_index("c")
        pltpu.sync_copy(
            idx_hbm.at[wid // _WPR, pl.ds((wid % _WPR) * _PER_W, _PER_W)], idx_v
        )

        def start_gather(j):
            b = j % _K
            return pltpu.async_copy(
                table_hbm.at[idx_v.at[pl.ds(j * _GB, _GB)]], bufs[b], gsems[b]
            )

        def start_write(j):
            b = j % _K
            base = wid * _PER_W + j * _GB
            return pltpu.async_copy(bufs[b], out_hbm.at[pl.ds(base, _GB)], wsems[b])

        gathers = {j: start_gather(j) for j in range(_K)}
        writes = {}
        for j in range(_NG):
            gathers.pop(j).wait()
            if j - 1 in writes and j - 1 + _K < _NG:
                writes.pop(j - 1).wait()
                gathers[j - 1 + _K] = start_gather(j - 1 + _K)
            writes[j] = start_write(j)
        for j in sorted(writes):
            writes.pop(j).wait()

    return gather_kernel


_gather = _make_kernel()


def kernel(position_ids, table):
    out = _gather(position_ids.astype(jnp.int32), table)
    return out.reshape(position_ids.shape + (EMB,))

# --- scband reference (transcript-rebuilt; emitter-appended) ---
"""Pipeline reference for scband-positional-embedding-5239860101754 (READ-ONLY COPY).

The authoritative reference and input builder live on the scoring server;
editing this copy changes nothing except your own understanding.
"""

import jax, jax.numpy as jnp
import numpy as np

MAX_POS = 8192
EMB = 128

def setup_inputs(seed: int = 0) -> dict:
    key = jax.random.key(seed)
    k1, k2 = jax.random.split(key)
    position_ids = jax.random.randint(k1, (4, 8192), 0, MAX_POS, dtype=jnp.int64 if jax.config.jax_enable_x64 else jnp.int32)
    table = jax.random.normal(k2, (MAX_POS, EMB), dtype=jnp.float32)
    return {"position_ids": position_ids, "table": table}

def reference(position_ids, table):
    # nn.Embedding lookup: gather rows of the table by position_ids
    return jnp.take(table, position_ids, axis=0)

if __name__ == "__main__":
    import jax
    _d = setup_inputs()
    print(jax.jit(kernel)(*tuple(_d.values())))

</pallas_src>

<mosaic_0001>
#map = affine_map<(d0, d1) -> (0, 0)>
module attributes {stable_mosaic.version = 14 : i64} {
  func.func @gather_kernel(%arg0: i32, %arg1: i32, %arg2: memref<4x8192xi32, #tpu.memory_space<hbm>>, %arg3: memref<8192x128xf32, #tpu.memory_space<hbm>>, %arg4: memref<32768x128xf32, #tpu.memory_space<hbm>>, %arg5: memref<1024xi32, #tpu.memory_space<vmem>>, %arg6: memref<128x128xf32, #tpu.memory_space<vmem>>, %arg7: memref<128x128xf32, #tpu.memory_space<vmem>>, %arg8: memref<128x128xf32, #tpu.memory_space<vmem>>, %arg9: memref<128x128xf32, #tpu.memory_space<vmem>>, %arg10: memref<128x128xf32, #tpu.memory_space<vmem>>, %arg11: memref<128x128xf32, #tpu.memory_space<vmem>>, %arg12: memref<!tpu.dma_semaphore, #tpu.memory_space<semaphore_mem>>, %arg13: memref<!tpu.dma_semaphore, #tpu.memory_space<semaphore_mem>>, %arg14: memref<!tpu.dma_semaphore, #tpu.memory_space<semaphore_mem>>, %arg15: memref<!tpu.dma_semaphore, #tpu.memory_space<semaphore_mem>>, %arg16: memref<!tpu.dma_semaphore, #tpu.memory_space<semaphore_mem>>, %arg17: memref<!tpu.dma_semaphore, #tpu.memory_space<semaphore_mem>>, %arg18: memref<!tpu.dma_semaphore, #tpu.memory_space<semaphore_mem>>, %arg19: memref<!tpu.dma_semaphore, #tpu.memory_space<semaphore_mem>>, %arg20: memref<!tpu.dma_semaphore, #tpu.memory_space<semaphore_mem>>, %arg21: memref<!tpu.dma_semaphore, #tpu.memory_space<semaphore_mem>>, %arg22: memref<!tpu.dma_semaphore, #tpu.memory_space<semaphore_mem>>, %arg23: memref<!tpu.dma_semaphore, #tpu.memory_space<semaphore_mem>>) attributes {dimension_semantics = [#tpu.dimension_semantics<core_parallel>, #tpu.dimension_semantics<subcore_parallel>], iteration_bounds = array<i64: 2, 16>, scalar_prefetch = 0 : i64, scratch_operands = 19 : i64, tpu.core_type = #tpu.core_type<sc_vector_subcore>, window_params = [{transform_indices = #map}, {transform_indices = #map}, {transform_indices = #map}]} {
    %mul3A = arith.constant 2 : i32
    %mul3A_0 = arith.muli %arg1, %mul3A : i32
    %add3A = arith.addi %mul3A_0, %arg0 : i32
    %jit3A = arith.constant 8 : i32
    %div3A = arith.divsi %add3A, %jit3A : i32
    %sign3A = arith.constant 0 : i32
    %sign3A_1 = arith.cmpi sgt, %add3A, %sign3A : i32
    %sign3A_2 = arith.extui %sign3A_1 : i1 to i32
    %sign3A_3 = arith.constant 0 : i32
    %sign3A_4 = arith.cmpi slt, %add3A, %sign3A_3 : i32
    %sign3A_5 = arith.extui %sign3A_4 : i1 to i32
    %sign3A_6 = arith.subi %sign3A_2, %sign3A_5 : i32
    %sign3A_7 = arith.constant 0 : i32
    %sign3A_8 = arith.cmpi sgt, %jit3A, %sign3A_7 : i32
    %sign3A_9 = arith.extui %sign3A_8 : i1 to i32
    %sign3A_10 = arith.constant 0 : i32
    %sign3A_11 = arith.cmpi slt, %jit3A, %sign3A_10 : i32
    %sign3A_12 = arith.extui %sign3A_11 : i1 to i32
    %sign3A_13 = arith.subi %sign3A_9, %sign3A_12 : i32
    %ne3A = arith.cmpi ne, %sign3A_6, %sign3A_13 : i32
    %rem3A = arith.remsi %add3A, %jit3A : i32
    %ne3A_14 = arith.constant 0 : i32
    %ne3A_15 = arith.cmpi ne, %rem3A, %ne3A_14 : i32
    %and3A = arith.andi %ne3A, %ne3A_15 : i1
    %sub3A = arith.constant 1 : i32
    %sub3A_16 = arith.subi %div3A, %sub3A : i32
    %select_n3A = arith.select %and3A, %sub3A_16, %div3A : i32
    %jit3A_17 = arith.constant 8 : i32
    %eq3A = arith.constant 0 : i32
    %eq3A_18 = arith.cmpi eq, %jit3A_17, %eq3A : i32
    %jit3A_19 = arith.constant 1 : i32
    %select_n3A_20 = arith.select %eq3A_18, %jit3A_19, %jit3A_17 : i32
    %rem3A_21 = arith.remsi %add3A, %select_n3A_20 : i32
    %ne3A_22 = arith.constant 0 : i32
    %ne3A_23 = arith.cmpi ne, %rem3A_21, %ne3A_22 : i32
    %lt3A = arith.constant 0 : i32
    %lt3A_24 = arith.cmpi slt, %rem3A_21, %lt3A : i32
    %lt3A_25 = arith.constant 0 : i32
    %lt3A_26 = arith.cmpi slt, %select_n3A_20, %lt3A_25 : i32
    %ne3A_27 = arith.xori %lt3A_24, %lt3A_26 : i1
    %and3A_28 = arith.andi %ne3A_27, %ne3A_23 : i1
    %add3A_29 = arith.addi %rem3A_21, %select_n3A_20 : i32
    %select_n3A_30 = arith.select %and3A_28, %add3A_29, %rem3A_21 : i32
    %mul3A_31 = arith.constant 1024 : i32
    %mul3A_32 = arith.muli %select_n3A_30, %mul3A_31 : i32
    "tpu.region"() ({
      %run_scoped3A = tpu.sem_alloc : memref<!tpu.dma_semaphore, #tpu.memory_space<semaphore_mem>>
      %dma_start3A_207 = tpu.memref_slice %arg2[%select_n3A, %mul3A_32] : memref<4x8192xi32, #tpu.memory_space<hbm>> -> memref<1x1024xi32, #tpu.memory_space<hbm>>
      %dma_start3A_208 = tpu.memref_squeeze %dma_start3A_207 : memref<1x1024xi32, #tpu.memory_space<hbm>> -> memref<1024xi32, #tpu.memory_space<hbm>>
      %dma_start3A_209 = tpu.memref_slice %arg2[%select_n3A, %mul3A_32] : memref<4x8192xi32, #tpu.memory_space<hbm>> -> memref<1x1024xi32, #tpu.memory_space<hbm>>
      %dma_start3A_210 = tpu.memref_squeeze %dma_start3A_209 : memref<1x1024xi32, #tpu.memory_space<hbm>> -> memref<1024xi32, #tpu.memory_space<hbm>>
      tpu.enqueue_dma source(%dma_start3A_210 : memref<1024xi32, #tpu.memory_space<hbm>>) target(%arg5 : memref<1024xi32, #tpu.memory_space<vmem>>) target_semaphore(%run_scoped3A : memref<!tpu.dma_semaphore, #tpu.memory_space<semaphore_mem>>)
      %dma_wait3A_211 = tpu.memref_slice %arg2[%select_n3A, %mul3A_32] : memref<4x8192xi32, #tpu.memory_space<hbm>> -> memref<1x1024xi32, #tpu.memory_space<hbm>>
      %dma_wait3A_212 = tpu.memref_squeeze %dma_wait3A_211 : memref<1x1024xi32, #tpu.memory_space<hbm>> -> memref<1024xi32, #tpu.memory_space<hbm>>
      %dma_wait3A_213 = tpu.memref_slice %arg2[%select_n3A, %mul3A_32] : memref<4x8192xi32, #tpu.memory_space<hbm>> -> memref<1x1024xi32, #tpu.memory_space<hbm>>
      %dma_wait3A_214 = tpu.memref_squeeze %dma_wait3A_213 : memref<1x1024xi32, #tpu.memory_space<hbm>> -> memref<1024xi32, #tpu.memory_space<hbm>>
      tpu.wait_dma2 semaphore(%run_scoped3A : memref<!tpu.dma_semaphore, #tpu.memory_space<semaphore_mem>>) src(%dma_wait3A_214 : memref<1024xi32, #tpu.memory_space<hbm>>) dst(%arg5 : memref<1024xi32, #tpu.memory_space<vmem>>)
      tpu.yield
    }) : () -> ()
    %dma_start3A = arith.constant 0 : i32
    %dma_start3A_33 = tpu.memref_slice %arg5[%dma_start3A] : memref<1024xi32, #tpu.memory_space<vmem>> -> memref<128xi32, #tpu.memory_space<vmem>>
    %dma_start3A_34 = arith.constant 0 : i32
    %dma_start3A_35 = arith.constant 0 : i32
    %dma_start3A_36 = tpu.memref_slice %arg3[%dma_start3A_34, %dma_start3A_35] : memref<8192x128xf32, #tpu.memory_space<hbm>> -> memref<8192x128xf32, #tpu.memory_space<hbm>>
    tpu.enqueue_indirect_dma source(%dma_start3A_36 : memref<8192x128xf32, #tpu.memory_space<hbm>>) target(%arg6 : memref<128x128xf32, #tpu.memory_space<vmem>>) offsets(%dma_start3A_33 : memref<128xi32, #tpu.memory_space<vmem>>) semaphore(%arg12 : memref<!tpu.dma_semaphore, #tpu.memory_space<semaphore_mem>>)
    %dma_start3A_37 = arith.constant 128 : i32
    %dma_start3A_38 = tpu.memref_slice %arg5[%dma_start3A_37] : memref<1024xi32, #tpu.memory_space<vmem>> -> memref<128xi32, #tpu.memory_space<vmem>>
    %dma_start3A_39 = arith.constant 0 : i32
    %dma_start3A_40 = arith.constant 0 : i32
    %dma_start3A_41 = tpu.memref_slice %arg3[%dma_start3A_39, %dma_start3A_40] : memref<8192x128xf32, #tpu.memory_space<hbm>> -> memref<8192x128xf32, #tpu.memory_space<hbm>>
    tpu.enqueue_indirect_dma source(%dma_start3A_41 : memref<8192x128xf32, #tpu.memory_space<hbm>>) target(%arg7 : memref<128x128xf32, #tpu.memory_space<vmem>>) offsets(%dma_start3A_38 : memref<128xi32, #tpu.memory_space<vmem>>) semaphore(%arg13 : memref<!tpu.dma_semaphore, #tpu.memory_space<semaphore_mem>>)
    %dma_start3A_42 = arith.constant 256 : i32
    %dma_start3A_43 = tpu.memref_slice %arg5[%dma_start3A_42] : memref<1024xi32, #tpu.memory_space<vmem>> -> memref<128xi32, #tpu.memory_space<vmem>>
    %dma_start3A_44 = arith.constant 0 : i32
    %dma_start3A_45 = arith.constant 0 : i32
    %dma_start3A_46 = tpu.memref_slice %arg3[%dma_start3A_44, %dma_start3A_45] : memref<8192x128xf32, #tpu.memory_space<hbm>> -> memref<8192x128xf32, #tpu.memory_space<hbm>>
    tpu.enqueue_indirect_dma source(%dma_start3A_46 : memref<8192x128xf32, #tpu.memory_space<hbm>>) target(%arg8 : memref<128x128xf32, #tpu.memory_space<vmem>>) offsets(%dma_start3A_43 : memref<128xi32, #tpu.memory_space<vmem>>) semaphore(%arg14 : memref<!tpu.dma_semaphore, #tpu.memory_space<semaphore_mem>>)
    %dma_start3A_47 = arith.constant 384 : i32
    %dma_start3A_48 = tpu.memref_slice %arg5[%dma_start3A_47] : memref<1024xi32, #tpu.memory_space<vmem>> -> memref<128xi32, #tpu.memory_space<vmem>>
    %dma_start3A_49 = arith.constant 0 : i32
    %dma_start3A_50 = arith.constant 0 : i32
    %dma_start3A_51 = tpu.memref_slice %arg3[%dma_start3A_49, %dma_start3A_50] : memref<8192x128xf32, #tpu.memory_space<hbm>> -> memref<8192x128xf32, #tpu.memory_space<hbm>>
    tpu.enqueue_indirect_dma source(%dma_start3A_51 : memref<8192x128xf32, #tpu.memory_space<hbm>>) target(%arg9 : memref<128x128xf32, #tpu.memory_space<vmem>>) offsets(%dma_start3A_48 : memref<128xi32, #tpu.memory_space<vmem>>) semaphore(%arg15 : memref<!tpu.dma_semaphore, #tpu.memory_space<semaphore_mem>>)
    %dma_start3A_52 = arith.constant 512 : i32
    %dma_start3A_53 = tpu.memref_slice %arg5[%dma_start3A_52] : memref<1024xi32, #tpu.memory_space<vmem>> -> memref<128xi32, #tpu.memory_space<vmem>>
    %dma_start3A_54 = arith.constant 0 : i32
    %dma_start3A_55 = arith.constant 0 : i32
    %dma_start3A_56 = tpu.memref_slice %arg3[%dma_start3A_54, %dma_start3A_55] : memref<8192x128xf32, #tpu.memory_space<hbm>> -> memref<8192x128xf32, #tpu.memory_space<hbm>>
    tpu.enqueue_indirect_dma source(%dma_start3A_56 : memref<8192x128xf32, #tpu.memory_space<hbm>>) target(%arg10 : memref<128x128xf32, #tpu.memory_space<vmem>>) offsets(%dma_start3A_53 : memref<128xi32, #tpu.memory_space<vmem>>) semaphore(%arg16 : memref<!tpu.dma_semaphore, #tpu.memory_space<semaphore_mem>>)
    %dma_start3A_57 = arith.constant 640 : i32
    %dma_start3A_58 = tpu.memref_slice %arg5[%dma_start3A_57] : memref<1024xi32, #tpu.memory_space<vmem>> -> memref<128xi32, #tpu.memory_space<vmem>>
    %dma_start3A_59 = arith.constant 0 : i32
    %dma_start3A_60 = arith.constant 0 : i32
    %dma_start3A_61 = tpu.memref_slice %arg3[%dma_start3A_59, %dma_start3A_60] : memref<8192x128xf32, #tpu.memory_space<hbm>> -> memref<8192x128xf32, #tpu.memory_space<hbm>>
    tpu.enqueue_indirect_dma source(%dma_start3A_61 : memref<8192x128xf32, #tpu.memory_space<hbm>>) target(%arg11 : memref<128x128xf32, #tpu.memory_space<vmem>>) offsets(%dma_start3A_58 : memref<128xi32, #tpu.memory_space<vmem>>) semaphore(%arg17 : memref<!tpu.dma_semaphore, #tpu.memory_space<semaphore_mem>>)
    %dma_wait3A = arith.constant 0 : i32
    %dma_wait3A_62 = tpu.memref_slice %arg5[%dma_wait3A] : memref<1024xi32, #tpu.memory_space<vmem>> -> memref<128xi32, #tpu.memory_space<vmem>>
    %dma_wait3A_63 = arith.constant 0 : i32
    %dma_wait3A_64 = arith.constant 0 : i32
    %dma_wait3A_65 = tpu.memref_slice %arg3[%dma_wait3A_63, %dma_wait3A_64] : memref<8192x128xf32, #tpu.memory_space<hbm>> -> memref<8192x128xf32, #tpu.memory_space<hbm>>
    tpu.wait_indirect_dma semaphore(%arg12 : memref<!tpu.dma_semaphore, #tpu.memory_space<semaphore_mem>>) src(%dma_wait3A_65 : memref<8192x128xf32, #tpu.memory_space<hbm>>) dst(%arg6 : memref<128x128xf32, #tpu.memory_space<vmem>>)
    %mul3A_66 = arith.constant 1024 : i32
    %mul3A_67 = arith.muli %add3A, %mul3A_66 : i32
    %add3A_68 = arith.constant 0 : i32
    %add3A_69 = arith.addi %mul3A_67, %add3A_68 : i32
    %dma_start3A_70 = arith.constant 0 : i32
    %dma_start3A_71 = tpu.memref_slice %arg4[%add3A_69, %dma_start3A_70] : memref<32768x128xf32, #tpu.memory_space<hbm>> -> memref<128x128xf32, #tpu.memory_space<hbm>>
    %dma_start3A_72 = arith.constant 0 : i32
    %dma_start3A_73 = tpu.memref_slice %arg4[%add3A_69, %dma_start3A_72] : memref<32768x128xf32, #tpu.memory_space<hbm>> -> memref<128x128xf32, #tpu.memory_space<hbm>>
    tpu.enqueue_dma source(%arg6 : memref<128x128xf32, #tpu.memory_space<vmem>>) target(%dma_start3A_73 : memref<128x128xf32, #tpu.memory_space<hbm>>) target_semaphore(%arg18 : memref<!tpu.dma_semaphore, #tpu.memory_space<semaphore_mem>>)
    %dma_wait3A_74 = arith.constant 128 : i32
    %dma_wait3A_75 = tpu.memref_slice %arg5[%dma_wait3A_74] : memref<1024xi32, #tpu.memory_space<vmem>> -> memref<128xi32, #tpu.memory_space<vmem>>
    %dma_wait3A_76 = arith.constant 0 : i32
    %dma_wait3A_77 = arith.constant 0 : i32
    %dma_wait3A_78 = tpu.memref_slice %arg3[%dma_wait3A_76, %dma_wait3A_77] : memref<8192x128xf32, #tpu.memory_space<hbm>> -> memref<8192x128xf32, #tpu.memory_space<hbm>>
    tpu.wait_indirect_dma semaphore(%arg13 : memref<!tpu.dma_semaphore, #tpu.memory_space<semaphore_mem>>) src(%dma_wait3A_78 : memref<8192x128xf32, #tpu.memory_space<hbm>>) dst(%arg7 : memref<128x128xf32, #tpu.memory_space<vmem>>)
    %dma_wait3A_79 = arith.constant 0 : i32
    %dma_wait3A_80 = tpu.memref_slice %arg4[%add3A_69, %dma_wait3A_79] : memref<32768x128xf32, #tpu.memory_space<hbm>> -> memref<128x128xf32, #tpu.memory_space<hbm>>
    %dma_wait3A_81 = arith.constant 0 : i32
    %dma_wait3A_82 = tpu.memref_slice %arg4[%add3A_69, %dma_wait3A_81] : memref<32768x128xf32, #tpu.memory_space<hbm>> -> memref<128x128xf32, #tpu.memory_space<hbm>>
    tpu.wait_dma2 semaphore(%arg18 : memref<!tpu.dma_semaphore, #tpu.memory_space<semaphore_mem>>) src(%arg6 : memref<128x128xf32, #tpu.memory_space<vmem>>) dst(%dma_wait3A_82 : memref<128x128xf32, #tpu.memory_space<hbm>>)
    %dma_start3A_83 = arith.constant 768 : i32
    %dma_start3A_84 = tpu.memref_slice %arg5[%dma_start3A_83] : memref<1024xi32, #tpu.memory_space<vmem>> -> memref<128xi32, #tpu.memory_space<vmem>>
    %dma_start3A_85 = arith.constant 0 : i32
    %dma_start3A_86 = arith.constant 0 : i32
    %dma_start3A_87 = tpu.memref_slice %arg3[%dma_start3A_85, %dma_start3A_86] : memref<8192x128xf32, #tpu.memory_space<hbm>> -> memref<8192x128xf32, #tpu.memory_space<hbm>>
    tpu.enqueue_indirect_dma source(%dma_start3A_87 : memref<8192x128xf32, #tpu.memory_space<hbm>>) target(%arg6 : memref<128x128xf32, #tpu.memory_space<vmem>>) offsets(%dma_start3A_84 : memref<128xi32, #tpu.memory_space<vmem>>) semaphore(%arg12 : memref<!tpu.dma_semaphore, #tpu.memory_space<semaphore_mem>>)
    %mul3A_88 = arith.constant 1024 : i32
    %mul3A_89 = arith.muli %add3A, %mul3A_88 : i32
    %add3A_90 = arith.constant 128 : i32
    %add3A_91 = arith.addi %mul3A_89, %add3A_90 : i32
    %dma_start3A_92 = arith.constant 0 : i32
    %dma_start3A_93 = tpu.memref_slice %arg4[%add3A_91, %dma_start3A_92] : memref<32768x128xf32, #tpu.memory_space<hbm>> -> memref<128x128xf32, #tpu.memory_space<hbm>>
    %dma_start3A_94 = arith.constant 0 : i32
    %dma_start3A_95 = tpu.memref_slice %arg4[%add3A_91, %dma_start3A_94] : memref<32768x128xf32, #tpu.memory_space<hbm>> -> memref<128x128xf32, #tpu.memory_space<hbm>>
    tpu.enqueue_dma source(%arg7 : memref<128x128xf32, #tpu.memory_space<vmem>>) target(%dma_start3A_95 : memref<128x128xf32, #tpu.memory_space<hbm>>) target_semaphore(%arg19 : memref<!tpu.dma_semaphore, #tpu.memory_space<semaphore_mem>>)
    %dma_wait3A_96 = arith.constant 256 : i32
    %dma_wait3A_97 = tpu.memref_slice %arg5[%dma_wait3A_96] : memref<1024xi32, #tpu.memory_space<vmem>> -> memref<128xi32, #tpu.memory_space<vmem>>
    %dma_wait3A_98 = arith.constant 0 : i32
    %dma_wait3A_99 = arith.constant 0 : i32
    %dma_wait3A_100 = tpu.memref_slice %arg3[%dma_wait3A_98, %dma_wait3A_99] : memref<8192x128xf32, #tpu.memory_space<hbm>> -> memref<8192x128xf32, #tpu.memory_space<hbm>>
    tpu.wait_indirect_dma semaphore(%arg14 : memref<!tpu.dma_semaphore, #tpu.memory_space<semaphore_mem>>) src(%dma_wait3A_100 : memref<8192x128xf32, #tpu.memory_space<hbm>>) dst(%arg8 : memref<128x128xf32, #tpu.memory_space<vmem>>)
    %dma_wait3A_101 = arith.constant 0 : i32
    %dma_wait3A_102 = tpu.memref_slice %arg4[%add3A_91, %dma_wait3A_101] : memref<32768x128xf32, #tpu.memory_space<hbm>> -> memref<128x128xf32, #tpu.memory_space<hbm>>
    %dma_wait3A_103 = arith.constant 0 : i32
    %dma_wait3A_104 = tpu.memref_slice %arg4[%add3A_91, %dma_wait3A_103] : memref<32768x128xf32, #tpu.memory_space<hbm>> -> memref<128x128xf32, #tpu.memory_space<hbm>>
    tpu.wait_dma2 semaphore(%arg19 : memref<!tpu.dma_semaphore, #tpu.memory_space<semaphore_mem>>) src(%arg7 : memref<128x128xf32, #tpu.memory_space<vmem>>) dst(%dma_wait3A_104 : memref<128x128xf32, #tpu.memory_space<hbm>>)
    %dma_start3A_105 = arith.constant 896 : i32
    %dma_start3A_106 = tpu.memref_slice %arg5[%dma_start3A_105] : memref<1024xi32, #tpu.memory_space<vmem>> -> memref<128xi32, #tpu.memory_space<vmem>>
    %dma_start3A_107 = arith.constant 0 : i32
    %dma_start3A_108 = arith.constant 0 : i32
    %dma_start3A_109 = tpu.memref_slice %arg3[%dma_start3A_107, %dma_start3A_108] : memref<8192x128xf32, #tpu.memory_space<hbm>> -> memref<8192x128xf32, #tpu.memory_space<hbm>>
    tpu.enqueue_indirect_dma source(%dma_start3A_109 : memref<8192x128xf32, #tpu.memory_space<hbm>>) target(%arg7 : memref<128x128xf32, #tpu.memory_space<vmem>>) offsets(%dma_start3A_106 : memref<128xi32, #tpu.memory_space<vmem>>) semaphore(%arg13 : memref<!tpu.dma_semaphore, #tpu.memory_space<semaphore_mem>>)
    %mul3A_110 = arith.constant 1024 : i32
    %mul3A_111 = arith.muli %add3A, %mul3A_110 : i32
    %add3A_112 = arith.constant 256 : i32
    %add3A_113 = arith.addi %mul3A_111, %add3A_112 : i32
    %dma_start3A_114 = arith.constant 0 : i32
    %dma_start3A_115 = tpu.memref_slice %arg4[%add3A_113, %dma_start3A_114] : memref<32768x128xf32, #tpu.memory_space<hbm>> -> memref<128x128xf32, #tpu.memory_space<hbm>>
    %dma_start3A_116 = arith.constant 0 : i32
    %dma_start3A_117 = tpu.memref_slice %arg4[%add3A_113, %dma_start3A_116] : memref<32768x128xf32, #tpu.memory_space<hbm>> -> memref<128x128xf32, #tpu.memory_space<hbm>>
    tpu.enqueue_dma source(%arg8 : memref<128x128xf32, #tpu.memory_space<vmem>>) target(%dma_start3A_117 : memref<128x128xf32, #tpu.memory_space<hbm>>) target_semaphore(%arg20 : memref<!tpu.dma_semaphore, #tpu.memory_space<semaphore_mem>>)
    %dma_wait3A_118 = arith.constant 384 : i32
    %dma_wait3A_119 = tpu.memref_slice %arg5[%dma_wait3A_118] : memref<1024xi32, #tpu.memory_space<vmem>> -> memref<128xi32, #tpu.memory_space<vmem>>
    %dma_wait3A_120 = arith.constant 0 : i32
    %dma_wait3A_121 = arith.constant 0 : i32
    %dma_wait3A_122 = tpu.memref_slice %arg3[%dma_wait3A_120, %dma_wait3A_121] : memref<8192x128xf32, #tpu.memory_space<hbm>> -> memref<8192x128xf32, #tpu.memory_space<hbm>>
    tpu.wait_indirect_dma semaphore(%arg15 : memref<!tpu.dma_semaphore, #tpu.memory_space<semaphore_mem>>) src(%dma_wait3A_122 : memref<8192x128xf32, #tpu.memory_space<hbm>>) dst(%arg9 : memref<128x128xf32, #tpu.memory_space<vmem>>)
    %mul3A_123 = arith.constant 1024 : i32
    %mul3A_124 = arith.muli %add3A, %mul3A_123 : i32
    %add3A_125 = arith.constant 384 : i32
    %add3A_126 = arith.addi %mul3A_124, %add3A_125 : i32
    %dma_start3A_127 = arith.constant 0 : i32
    %dma_start3A_128 = tpu.memref_slice %arg4[%add3A_126, %dma_start3A_127] : memref<32768x128xf32, #tpu.memory_space<hbm>> -> memref<128x128xf32, #tpu.memory_space<hbm>>
    %dma_start3A_129 = arith.constant 0 : i32
    %dma_start3A_130 = tpu.memref_slice %arg4[%add3A_126, %dma_start3A_129] : memref<32768x128xf32, #tpu.memory_space<hbm>> -> memref<128x128xf32, #tpu.memory_space<hbm>>
    tpu.enqueue_dma source(%arg9 : memref<128x128xf32, #tpu.memory_space<vmem>>) target(%dma_start3A_130 : memref<128x128xf32, #tpu.memory_space<hbm>>) target_semaphore(%arg21 : memref<!tpu.dma_semaphore, #tpu.memory_space<semaphore_mem>>)
    %dma_wait3A_131 = arith.constant 512 : i32
    %dma_wait3A_132 = tpu.memref_slice %arg5[%dma_wait3A_131] : memref<1024xi32, #tpu.memory_space<vmem>> -> memref<128xi32, #tpu.memory_space<vmem>>
    %dma_wait3A_133 = arith.constant 0 : i32
    %dma_wait3A_134 = arith.constant 0 : i32
    %dma_wait3A_135 = tpu.memref_slice %arg3[%dma_wait3A_133, %dma_wait3A_134] : memref<8192x128xf32, #tpu.memory_space<hbm>> -> memref<8192x128xf32, #tpu.memory_space<hbm>>
    tpu.wait_indirect_dma semaphore(%arg16 : memref<!tpu.dma_semaphore, #tpu.memory_space<semaphore_mem>>) src(%dma_wait3A_135 : memref<8192x128xf32, #tpu.memory_space<hbm>>) dst(%arg10 : memref<128x128xf32, #tpu.memory_space<vmem>>)
    %mul3A_136 = arith.constant 1024 : i32
    %mul3A_137 = arith.muli %add3A, %mul3A_136 : i32
    %add3A_138 = arith.constant 512 : i32
    %add3A_139 = arith.addi %mul3A_137, %add3A_138 : i32
    %dma_start3A_140 = arith.constant 0 : i32
    %dma_start3A_141 = tpu.memref_slice %arg4[%add3A_139, %dma_start3A_140] : memref<32768x128xf32, #tpu.memory_space<hbm>> -> memref<128x128xf32, #tpu.memory_space<hbm>>
    %dma_start3A_142 = arith.constant 0 : i32
    %dma_start3A_143 = tpu.memref_slice %arg4[%add3A_139, %dma_start3A_142] : memref<32768x128xf32, #tpu.memory_space<hbm>> -> memref<128x128xf32, #tpu.memory_space<hbm>>
    tpu.enqueue_dma source(%arg10 : memref<128x128xf32, #tpu.memory_space<vmem>>) target(%dma_start3A_143 : memref<128x128xf32, #tpu.memory_space<hbm>>) target_semaphore(%arg22 : memref<!tpu.dma_semaphore, #tpu.memory_space<semaphore_mem>>)
    %dma_wait3A_144 = arith.constant 640 : i32
    %dma_wait3A_145 = tpu.memref_slice %arg5[%dma_wait3A_144] : memref<1024xi32, #tpu.memory_space<vmem>> -> memref<128xi32, #tpu.memory_space<vmem>>
    %dma_wait3A_146 = arith.constant 0 : i32
    %dma_wait3A_147 = arith.constant 0 : i32
    %dma_wait3A_148 = tpu.memref_slice %arg3[%dma_wait3A_146, %dma_wait3A_147] : memref<8192x128xf32, #tpu.memory_space<hbm>> -> memref<8192x128xf32, #tpu.memory_space<hbm>>
    tpu.wait_indirect_dma semaphore(%arg17 : memref<!tpu.dma_semaphore, #tpu.memory_space<semaphore_mem>>) src(%dma_wait3A_148 : memref<8192x128xf32, #tpu.memory_space<hbm>>) dst(%arg11 : memref<128x128xf32, #tpu.memory_space<vmem>>)
    %mul3A_149 = arith.constant 1024 : i32
    %mul3A_150 = arith.muli %add3A, %mul3A_149 : i32
    %add3A_151 = arith.constant 640 : i32
    %add3A_152 = arith.addi %mul3A_150, %add3A_151 : i32
    %dma_start3A_153 = arith.constant 0 : i32
    %dma_start3A_154 = tpu.memref_slice %arg4[%add3A_152, %dma_start3A_153] : memref<32768x128xf32, #tpu.memory_space<hbm>> -> memref<128x128xf32, #tpu.memory_space<hbm>>
    %dma_start3A_155 = arith.constant 0 : i32
    %dma_start3A_156 = tpu.memref_slice %arg4[%add3A_152, %dma_start3A_155] : memref<32768x128xf32, #tpu.memory_space<hbm>> -> memref<128x128xf32, #tpu.memory_space<hbm>>
    tpu.enqueue_dma source(%arg11 : memref<128x128xf32, #tpu.memory_space<vmem>>) target(%dma_start3A_156 : memref<128x128xf32, #tpu.memory_space<hbm>>) target_semaphore(%arg23 : memref<!tpu.dma_semaphore, #tpu.memory_space<semaphore_mem>>)
    %dma_wait3A_157 = arith.constant 768 : i32
    %dma_wait3A_158 = tpu.memref_slice %arg5[%dma_wait3A_157] : memref<1024xi32, #tpu.memory_space<vmem>> -> memref<128xi32, #tpu.memory_space<vmem>>
    %dma_wait3A_159 = arith.constant 0 : i32
    %dma_wait3A_160 = arith.constant 0 : i32
    %dma_wait3A_161 = tpu.memref_slice %arg3[%dma_wait3A_159, %dma_wait3A_160] : memref<8192x128xf32, #tpu.memory_space<hbm>> -> memref<8192x128xf32, #tpu.memory_space<hbm>>
    tpu.wait_indirect_dma semaphore(%arg12 : memref<!tpu.dma_semaphore, #tpu.memory_space<semaphore_mem>>) src(%dma_wait3A_161 : memref<8192x128xf32, #tpu.memory_space<hbm>>) dst(%arg6 : memref<128x128xf32, #tpu.memory_space<vmem>>)
    %mul3A_162 = arith.constant 1024 : i32
    %mul3A_163 = arith.muli %add3A, %mul3A_162 : i32
    %add3A_164 = arith.constant 768 : i32
    %add3A_165 = arith.addi %mul3A_163, %add3A_164 : i32
    %dma_start3A_166 = arith.constant 0 : i32
    %dma_start3A_167 = tpu.memref_slice %arg4[%add3A_165, %dma_start3A_166] : memref<32768x128xf32, #tpu.memory_space<hbm>> -> memref<128x128xf32, #tpu.memory_space<hbm>>
    %dma_start3A_168 = arith.constant 0 : i32
    %dma_start3A_169 = tpu.memref_slice %arg4[%add3A_165, %dma_start3A_168] : memref<32768x128xf32, #tpu.memory_space<hbm>> -> memref<128x128xf32, #tpu.memory_space<hbm>>
    tpu.enqueue_dma source(%arg6 : memref<128x128xf32, #tpu.memory_space<vmem>>) target(%dma_start3A_169 : memref<128x128xf32, #tpu.memory_space<hbm>>) target_semaphore(%arg18 : memref<!tpu.dma_semaphore, #tpu.memory_space<semaphore_mem>>)
    %dma_wait3A_170 = arith.constant 896 : i32
    %dma_wait3A_171 = tpu.memref_slice %arg5[%dma_wait3A_170] : memref<1024xi32, #tpu.memory_space<vmem>> -> memref<128xi32, #tpu.memory_space<vmem>>
    %dma_wait3A_172 = arith.constant 0 : i32
    %dma_wait3A_173 = arith.constant 0 : i32
    %dma_wait3A_174 = tpu.memref_slice %arg3[%dma_wait3A_172, %dma_wait3A_173] : memref<8192x128xf32, #tpu.memory_space<hbm>> -> memref<8192x128xf32, #tpu.memory_space<hbm>>
    tpu.wait_indirect_dma semaphore(%arg13 : memref<!tpu.dma_semaphore, #tpu.memory_space<semaphore_mem>>) src(%dma_wait3A_174 : memref<8192x128xf32, #tpu.memory_space<hbm>>) dst(%arg7 : memref<128x128xf32, #tpu.memory_space<vmem>>)
    %mul3A_175 = arith.constant 1024 : i32
    %mul3A_176 = arith.muli %add3A, %mul3A_175 : i32
    %add3A_177 = arith.constant 896 : i32
    %add3A_178 = arith.addi %mul3A_176, %add3A_177 : i32
    %dma_start3A_179 = arith.constant 0 : i32
    %dma_start3A_180 = tpu.memref_slice %arg4[%add3A_178, %dma_start3A_179] : memref<32768x128xf32, #tpu.memory_space<hbm>> -> memref<128x128xf32, #tpu.memory_space<hbm>>
    %dma_start3A_181 = arith.constant 0 : i32
    %dma_start3A_182 = tpu.memref_slice %arg4[%add3A_178, %dma_start3A_181] : memref<32768x128xf32, #tpu.memory_space<hbm>> -> memref<128x128xf32, #tpu.memory_space<hbm>>
    tpu.enqueue_dma source(%arg7 : memref<128x128xf32, #tpu.memory_space<vmem>>) target(%dma_start3A_182 : memref<128x128xf32, #tpu.memory_space<hbm>>) target_semaphore(%arg19 : memref<!tpu.dma_semaphore, #tpu.memory_space<semaphore_mem>>)
    %dma_wait3A_183 = arith.constant 0 : i32
    %dma_wait3A_184 = tpu.memref_slice %arg4[%add3A_113, %dma_wait3A_183] : memref<32768x128xf32, #tpu.memory_space<hbm>> -> memref<128x128xf32, #tpu.memory_space<hbm>>
    %dma_wait3A_185 = arith.constant 0 : i32
    %dma_wait3A_186 = tpu.memref_slice %arg4[%add3A_113, %dma_wait3A_185] : memref<32768x128xf32, #tpu.memory_space<hbm>> -> memref<128x128xf32, #tpu.memory_space<hbm>>
    tpu.wait_dma2 semaphore(%arg20 : memref<!tpu.dma_semaphore, #tpu.memory_space<semaphore_mem>>) src(%arg8 : memref<128x128xf32, #tpu.memory_space<vmem>>) dst(%dma_wait3A_186 : memref<128x128xf32, #tpu.memory_space<hbm>>)
    %dma_wait3A_187 = arith.constant 0 : i32
    %dma_wait3A_188 = tpu.memref_slice %arg4[%add3A_126, %dma_wait3A_187] : memref<32768x128xf32, #tpu.memory_space<hbm>> -> memref<128x128xf32, #tpu.memory_space<hbm>>
    %dma_wait3A_189 = arith.constant 0 : i32
    %dma_wait3A_190 = tpu.memref_slice %arg4[%add3A_126, %dma_wait3A_189] : memref<32768x128xf32, #tpu.memory_space<hbm>> -> memref<128x128xf32, #tpu.memory_space<hbm>>
    tpu.wait_dma2 semaphore(%arg21 : memref<!tpu.dma_semaphore, #tpu.memory_space<semaphore_mem>>) src(%arg9 : memref<128x128xf32, #tpu.memory_space<vmem>>) dst(%dma_wait3A_190 : memref<128x128xf32, #tpu.memory_space<hbm>>)
    %dma_wait3A_191 = arith.constant 0 : i32
    %dma_wait3A_192 = tpu.memref_slice %arg4[%add3A_139, %dma_wait3A_191] : memref<32768x128xf32, #tpu.memory_space<hbm>> -> memref<128x128xf32, #tpu.memory_space<hbm>>
    %dma_wait3A_193 = arith.constant 0 : i32
    %dma_wait3A_194 = tpu.memref_slice %arg4[%add3A_139, %dma_wait3A_193] : memref<32768x128xf32, #tpu.memory_space<hbm>> -> memref<128x128xf32, #tpu.memory_space<hbm>>
    tpu.wait_dma2 semaphore(%arg22 : memref<!tpu.dma_semaphore, #tpu.memory_space<semaphore_mem>>) src(%arg10 : memref<128x128xf32, #tpu.memory_space<vmem>>) dst(%dma_wait3A_194 : memref<128x128xf32, #tpu.memory_space<hbm>>)
    %dma_wait3A_195 = arith.constant 0 : i32
    %dma_wait3A_196 = tpu.memref_slice %arg4[%add3A_152, %dma_wait3A_195] : memref<32768x128xf32, #tpu.memory_space<hbm>> -> memref<128x128xf32, #tpu.memory_space<hbm>>
    %dma_wait3A_197 = arith.constant 0 : i32
    %dma_wait3A_198 = tpu.memref_slice %arg4[%add3A_152, %dma_wait3A_197] : memref<32768x128xf32, #tpu.memory_space<hbm>> -> memref<128x128xf32, #tpu.memory_space<hbm>>
    tpu.wait_dma2 semaphore(%arg23 : memref<!tpu.dma_semaphore, #tpu.memory_space<semaphore_mem>>) src(%arg11 : memref<128x128xf32, #tpu.memory_space<vmem>>) dst(%dma_wait3A_198 : memref<128x128xf32, #tpu.memory_space<hbm>>)
    %dma_wait3A_199 = arith.constant 0 : i32
    %dma_wait3A_200 = tpu.memref_slice %arg4[%add3A_165, %dma_wait3A_199] : memref<32768x128xf32, #tpu.memory_space<hbm>> -> memref<128x128xf32, #tpu.memory_space<hbm>>
    %dma_wait3A_201 = arith.constant 0 : i32
    %dma_wait3A_202 = tpu.memref_slice %arg4[%add3A_165, %dma_wait3A_201] : memref<32768x128xf32, #tpu.memory_space<hbm>> -> memref<128x128xf32, #tpu.memory_space<hbm>>
    tpu.wait_dma2 semaphore(%arg18 : memref<!tpu.dma_semaphore, #tpu.memory_space<semaphore_mem>>) src(%arg6 : memref<128x128xf32, #tpu.memory_space<vmem>>) dst(%dma_wait3A_202 : memref<128x128xf32, #tpu.memory_space<hbm>>)
    %dma_wait3A_203 = arith.constant 0 : i32
    %dma_wait3A_204 = tpu.memref_slice %arg4[%add3A_178, %dma_wait3A_203] : memref<32768x128xf32, #tpu.memory_space<hbm>> -> memref<128x128xf32, #tpu.memory_space<hbm>>
    %dma_wait3A_205 = arith.constant 0 : i32
    %dma_wait3A_206 = tpu.memref_slice %arg4[%add3A_178, %dma_wait3A_205] : memref<32768x128xf32, #tpu.memory_space<hbm>> -> memref<128x128xf32, #tpu.memory_space<hbm>>
    tpu.wait_dma2 semaphore(%arg19 : memref<!tpu.dma_semaphore, #tpu.memory_space<semaphore_mem>>) src(%arg7 : memref<128x128xf32, #tpu.memory_space<vmem>>) dst(%dma_wait3A_206 : memref<128x128xf32, #tpu.memory_space<hbm>>)
    return
  }
}

</mosaic_0001>

<sc_bundles>
// kernel: kernel.3.cloned.1.call-start
scs
__scs_entry_jumppad:
0x0: {  	(pc) =	sbr.rel $0x88, $3  }
0x1: {  	(tag) =	ssettag $0x0;
	lr =	simm.s32 $0x1  }
0x2: {  	[smem:$0x3F9F] =	sst lr;
	_ =	strace $0xD0000000  }
0x3: {  	_ = 	snop  }
0x4: {  	_ = 	snop  }
0x5: {  	_ = 	snop  }
0x6: {  	_ = 	snop  }
0x7: {  	_ = 	snop  }
__scs_overlays_trampoline_lowered:
0x8: {  	[smem:$0x3FAE] =	sst s0  }
0x9: {  	[smem:$0x3FAF] =	sst s1  }
0xa: {  	[smem:$0x3FB0] =	sst s2  }
0xb: {  	[smem:$0x3FB1] =	sst s3  }
0xc: {  	[smem:$0x3FB2] =	sst s4  }
0xd: {  	[smem:$0x3FB3] =	sst s5  }
0xe: {  	[smem:$0x3FB4] =	sst s6  }
0xf: {  	[smem:$0x3FB5] =	sst s7  }
0x10: {  	[smem:$0x3FB6] =	sst s8  }
0x11: {  	[smem:$0x3FB7] =	sst s9;
	s0 =	simm.s32 @!p0 $0x0  }
0x12: {  	s1 =	sld [smem:$0x3F9D];
	s0 =	simm.s32 @p0 $0x1  }
0x13: {  	[smem:$0x3FB8] =	sst s0;
	s0 =	simm.s32 @!p1 $0x0  }
0x14: {  	s2 =	sld [smem:$0x3F9C];
	s0 =	simm.s32 @p1 $0x1  }
0x15: {  	[smem:$0x3FB9] =	sst s0;
	s0 =	simm.s32 @!p2 $0x0  }
0x16: {  	s3 =	sld [smem:$0x3FDB];
	s0 =	simm.s32 @p2 $0x1  }
0x17: {  	s4 =	simm.s32 $0x1BF5;
	[smem:$0x3FBB] =	sst s0  }
0x18: {  	s0 =	sld [smem:$0x3F9E];
	_ =	swait.ge [sflag:s4], $0x0  }
0x19: {  	s7 =	sld [smem:$0x3F9F]  }
0x1a: {  	s8 =	sadd.s32 $0xFFFFE003, lr  }
0x1b: {  	s9 =	sadd.s32 $0xFFFFFEF7, lr;
	s5 =	simm.s32 $0xFFFFFFFF;
	p2 =	slt.u32 s8, $0xFFFFF086  }
0x1c: {  	p1 =	slt.u32 s9, $0xF7A;
	s5 =	simm.s32 @!p2 $0x0  }
0x1d: {  	s5 =	simm.s32 @p1 $0x1;
	p0 =	seq.s32 s7, s2  }
0x1e: {  	s7 =	smul.u32 @!p0 $0xF7A, s2;
	p2 =	seq.s32 @!p0 s5, $0x0  }
0x1f: {  	s9 =	smul.u32 $0xF7A, s1;
	s8 =	simm.s32 @!p0 $0x1BF5;
	p2 =	por !p2, p0  }
0x20: {  	[sflag:s8] =	ssyncset.s32 @!p0 $0xFFFFF086;
	s6 =	sadd.s32 @!p0 s3, s7;
	s7 =	simm.s32 @!p0 $0x108  }
0x21: {  	s3 =	sadd.s32 s3, s9;
	s6 =	sadd.s32 @!p0 $0x88, s6;
	s7 =	simm.s32 @p2 $0x1082  }
0x22: {  	[simem:s7], [sflag:s8] =	dma.local @!p0 [hbm:s6], $0xF7A  }
0x23: {  	s9 =	sor.u32 $0xD0000000, s2;
	s6 =	simm.s32 $0x108;
	_ =	swait.ge @!p0 [sflag:s8], $0x0  }
0x24: {  	s3 =	sadd.s32 $0x88, s3;
	s6 =	simm.s32 @!p1 $0x1082;
	[sflag:s4] =	ssyncset.s32 $0xFFFFF086  }
0x25: {  	[simem:s6], [sflag:s4] =	dma.local [hbm:s3], $0xF7A  }
0x26: {  	[smem:$0x3F9F] =	sst s1;
	(tag) =	ssettag s2;
	_ =	strace s9  }
0x27: {  	s1 =	sld [smem:$0x3FAF]  }
0x28: {  	s2 =	sld [smem:$0x3FB0]  }
0x29: {  	s4 =	sld [smem:$0x3FB2]  }
0x2a: {  	p0 =	seq.s32 s5, $0x0;
	s5 =	sld [smem:$0x3FB3]  }
0x2b: {  	s6 =	sld [smem:$0x3FB4]  }
0x2c: {  	s7 =	sld [smem:$0x3FB5]  }
0x2d: {  	s3 =	simm.s32 $0x108;
	s8 =	sld [smem:$0x3FB6]  }
0x2e: {  	s3 =	simm.s32 @!p0 $0x1082;
	s9 =	sld [smem:$0x3FB7]  }
0x2f: {  	lr =	sadd.s32 s0, s3;
	s0 =	sld [smem:$0x3FAE]  }
0x30: {  	s3 =	sld [smem:$0x3FB1]  }
0x31: {  	[smem:$0x3FBA] =	sst s10  }
0x32: {  	s10 =	sld [smem:$0x3FB8];
	_ =	sdelay $0x3  }
0x33: {  	p0 =	seq.s32 s10, $0x1;
	s10 =	sld [smem:$0x3FBA];
	_ =	sdelay $0x3  }
0x34: {  	[smem:$0x3FBA] =	sst s10  }
0x35: {  	s10 =	sld [smem:$0x3FB9];
	_ =	sdelay $0x3  }
0x36: {  	p1 =	seq.s32 s10, $0x1;
	s10 =	sld [smem:$0x3FBA];
	_ =	sdelay $0x3  }
0x37: {  	[smem:$0x3FBA] =	sst s10  }
0x38: {  	s10 =	sld [smem:$0x3FBB]  }
0x39: {  	_ = 	snop;
	(pc) =	sbr.ind lr, $3  }
0x3a: {  	_ = 	snop  }
0x3b: {  	_ = 	snop  }
0x3c: {  	p2 =	seq.s32 s10, $0x1;
	s10 =	sld [smem:$0x3FBA]  }
0x3d: {  	_ =	shalt  }
0x3e: {  	_ =	shalt  }
0x3f: {  	_ =	shalt  }
0x40: {  	_ =	shalt  }
0x41: {  	_ =	shalt  }
0x42: {  	_ =	shalt  }
0x43: {  	_ =	shalt  }
0x44: {  	_ =	shalt  }
0x45: {  	_ =	shalt  }
0x46: {  	_ =	shalt  }
0x47: {  	_ =	shalt  }
0x48: {  	_ =	shalt  }
0x49: {  	_ =	shalt  }
0x4a: {  	_ =	shalt  }
0x4b: {  	_ =	shalt  }
0x4c: {  	_ =	shalt  }
0x4d: {  	_ =	shalt  }
0x4e: {  	_ =	shalt  }
0x4f: {  	_ =	shalt  }
0x50: {  	_ =	shalt  }
0x51: {  	_ =	shalt  }
0x52: {  	_ =	shalt  }
0x53: {  	_ =	shalt  }
0x54: {  	_ =	shalt  }
0x55: {  	_ =	shalt  }
0x56: {  	_ =	shalt  }
0x57: {  	_ =	shalt  }
0x58: {  	_ =	shalt  }
0x59: {  	_ =	shalt  }
0x5a: {  	_ =	shalt  }
0x5b: {  	_ =	shalt  }
0x5c: {  	_ =	shalt  }
0x5d: {  	_ =	shalt  }
0x5e: {  	_ =	shalt  }
0x5f: {  	_ =	shalt  }
0x60: {  	_ =	shalt  }
0x61: {  	_ =	shalt  }
0x62: {  	_ =	shalt  }
0x63: {  	_ =	shalt  }
0x64: {  	_ =	shalt  }
0x65: {  	_ =	shalt  }
0x66: {  	_ =	shalt  }
0x67: {  	_ =	shalt  }
0x68: {  	_ =	shalt  }
0x69: {  	_ =	shalt  }
0x6a: {  	_ =	shalt  }
0x6b: {  	_ =	shalt  }
0x6c: {  	_ =	shalt  }
0x6d: {  	_ =	shalt  }
0x6e: {  	_ =	shalt  }
0x6f: {  	_ =	shalt  }
0x70: {  	_ =	shalt  }
0x71: {  	_ =	shalt  }
0x72: {  	_ =	shalt  }
0x73: {  	_ =	shalt  }
0x74: {  	_ =	shalt  }
0x75: {  	_ =	shalt  }
0x76: {  	_ =	shalt  }
0x77: {  	_ =	shalt  }
0x78: {  	_ =	shalt  }
0x79: {  	_ =	shalt  }
0x7a: {  	_ =	shalt  }
0x7b: {  	_ =	shalt  }
0x7c: {  	_ =	shalt  }
0x7d: {  	_ =	shalt  }
0x7e: {  	_ =	shalt  }
0x7f: {  	_ =	shalt  }
0x80: {  	_ =	shalt  }
0x81: {  	_ =	shalt  }
0x82: {  	_ =	shalt  }
0x83: {  	_ =	shalt  }
0x84: {  	_ =	shalt  }
0x85: {  	_ =	shalt  }
0x86: {  	_ =	shalt  }
0x87: {  	_ =	shalt  }
.Lfunc_end0:
.L_simem_size_0:
called_computation_lowered:
.L_overlay_start_0:
0x88: {  	s2 =	sld [smem:$0x3FD9]  }
0x89: {  	s3 =	sld [smem:$0x3FFE];
	_ =	sdelay $0x1  }
0x8a: {  	s1 =	srdreg.scid  }
0x8b: {  	s0 =	sand.u32 $0x1, s1  }
0x8c: {  	s18 =	sshll.u32 s0, $0xA;
	s2 =	sadd.s32 s3, s2  }
0x8d: {  	s2 =	sadd.s32 s2, s18  }
0x8e: {  	[smem:$0x3FC6] =	sst s2  }
0x8f: {  	_ = 	snop  }
0x90: {  	s2 =	sld [smem:$0x3FC9]  }
0x91: {  	s19 =	sld [smem:$0x3FC8]  }
0x92: {  	s4 =	sld [smem:$0x3FD0];
	(tm) =	ssettm $0x1  }
0x93: {  	s5 =	sld [smem:$0x3FFB];
	_ =	sdelay $0x3  }
0x94: {  	_ =	strace s5  }
0x95: {  	s5 =	sld [smem:$0x3FFC];
	_ =	sdelay $0x3  }
0x96: {  	_ =	strace s5  }
0x97: {  	s5 =	sld [smem:$0x3FFD];
	_ =	sdelay $0x3  }
0x98: {  	_ =	strace s5  }
0x99: {  	_ =	strace $0x8FFFFFFF  }
0x9a: {  	s20 =	sld [smem:$0x3FDB];
	_ =	sdelay $0x1  }
0x9b: {  	s6 =	simm.s32 $_scs_section_size  }
0x9c: {  	s7 =	simm.s32 $_size__tile_overlayer_lowered;
	s8 =	simm.s32 $_tile_overlayer_lowered  }
0x9d: {  	s23 =	simm.s32 $0x1BFF;
	s22 =	sshll.u32 s8, $0x1;
	s5 =	sadd.s32 s6, s20  }
0x9e: {  	s9 =	simm.s32 $0x0;
	s21 =	sshll.u32 s7, $0x1;
	s7 =	sadd.s32 s22, s5  }
0x9f: {  	[timem:s9], [sflag:s23] =	dma.local [hbm:s7], s21  }
0xa0: {  	_ =	swait.ge [sflag:s23], s21  }
0xa1: {  	s6 =	ssub.s32 $0x0, s21;
	[sflag:s23] =	ssyncset.done $0x0  }
0xa2: {  	[sflag:s23] =	ssyncadd.s32 s6;
	_ =	sdelay $0x1  }
0xa3: {  	s24 =	simm.s32 $0x1B8B  }
0xa4: {  	_ =	swait.ge [sflag:s24], $0x1  }
0xa5: {  	[sflag:s24] =	ssyncset.done $0x0  }
0xa6: {  	s25 =	simm.s32 $0x1B8E;
	[sflag:s24] =	ssyncadd.s32 $0xFFFFFFFF  }
0xa7: {  	s26 =	simm.s32 $execute0_lowered;
	[smem:$0x3FD2] =	sst s25  }
0xa8: {  	s6 =	sshll.u32 s26, $0x1;
	_ =	strace $0x80000046;
	[dreg:$0x1] =	wrdreg $0xFFFFFFFF  }
0xa9: {  	s28 =	simm.s32 $_size_execute0_lowered;
	s5 =	sadd.s32 s5, s6;
	[dreg:$0x0] =	wrdreg $0x0  }
0xaa: {  	s6 =	sshll.u32 s28, $0x1;
	[dreg:$0x2] =	wrdreg s5  }
0xab: {  	[dreg:$0x3] =	wrdreg s6  }
0xac: {  	[dreg:$0x4] =	wrdreg $0xC0  }
0xad: {  	_ =	task [dreg:s9], $0x5FFFF  }
0xae: {  	[dreg:$0x1] =	wrdreg $0xFFFFFFFF  }
0xaf: {  	[dreg:$0x0] =	wrdreg $0x60  }
0xb0: {  	[dreg:$0x2] =	wrdreg s2  }
0xb1: {  	[dreg:$0x3] =	wrdreg s19  }
0xb2: {  	[dreg:$0x4] =	wrdreg s4  }
0xb3: {  	[dreg:$0x5] =	wrdreg $0x9  }
0xb4: {  	_ =	task.clear_ibuf [dreg:s9], $0x6FFFF;
	_ =	strace $0x90000046  }
0xb5: {  	s29 =	simm.s32 $0x9;
	_ =	strace $0x80000048  }
0xb6: {  	_ =	swait.ge [sflag:s29], $0x1  }
0xb7: {  	[sflag:s29] =	ssyncadd.s32 $0xFFFFFFFF  }
0xb8: {  	_ =	strace $0x90000048  }
0xb9: {  	_ =	sfence  }
0xba: {  	s30 =	sld [smem:$0x0];
	_ =	sdelay $0x2  }
0xbb: {  	s31 =	sshll.u32 s1, $0xD;
	s1 =	sshrl.u32 s1, $0x2  }
0xbc: {  	s3 =	sand.u32 $0x4000, s31;
	s1 =	sadd.s32 s1, s30  }
0xbd: {  	s0 =	sor.u32 s3, s0;
	s1 =	sshll.u32 s1, $0x11  }
0xbe: {  	s0 =	sor.u32 s1, s0  }
0xbf: {  	s0 =	sadd.s32 $0x8F2B, s0  }
0xc0: {  	[sflag:s0] =	ssyncadd.remote.s32 $0x1  }
0xc1: {  	_ =	sfence.sel $0xFFFF  }
0xc2: {  	[dreg:$0x0] =	wrdreg $0xFFFFFFFF;
	(pc) =	sbr.abs _section_cstart, $3  }
0xc3: {  	[dreg:$0x1] =	wrdreg $0xFFFFFFFF  }
0xc4: {  	_ =	task.clear_ibuf [dreg:s9], $0x2FFFF;
	_ =	strace $0x9FFFFFFF  }
0xc5: {  	(tm) =	ssettm $0x7FFFFFFF  }
tec
execute0_lowered:
.L_overlay_start_1:
0x0: {  	(tag) =	ssettag $0x1  }
0x1: {  	s0 =	rddreg [dreg:$0x0]  }
0x2: {  	s3 =	rddreg [dreg:$0x1]  }
0x3: {  	s1 =	rddreg [dreg:$0x2]  }
0x4: {  	s2 =	srdreg.scid;
	s6 =	stileid.u32;
	s25 =	simm.s32 $0x200  }
0x5: {  	s28 =	simm.s32 $0xD;
	s29 =	simm.s32 $0x100;
	s30 =	simm.s32 $0x180  }
0x6: {  	s31 =	simm.s32 $0x280;
	s10 =	simm.s32 $0x1;
	s8 =	simm.s32 $0x2  }
0x7: {  	s26 =	simm.s32 $0x300;
	s24 =	simm.s32 $0x3;
	s23 =	simm.s32 $0x380  }
0x8: {  	s22 =	simm.s32 $0x4;
	p0 =	por $0x0, $0x0;
	s11 =	simm.s32 $0xB  }
0x9: {  	s9 =	simm.s32 $0xC;
	s4 =	sand.u32 $0x1, s2;
	s5 =	sshll.u32 s6, $0x1  }
0xa: {  	s2 =	simm.s32 $0x0;
	s6 =	sshll.u32 s6, $0x2;
	s5 =	sor.u32 s4, s5  }
0xb: {  	[smem:$0x7FF] =	sst s2;
	s6 =	sand.u32 $0x30, s6;
	s17 =	ssub.s32 $0x2, s4  }
0xc: {  	s7 =	sshll.u32 s5, $0x9;
	s0 =	sadd.s32 s0, s6;
	s5 =	sshll.u32 s5, $0xE  }
0xd: {  	_ =	strace $0x80000047;
	s4 =	sshrl.u32 s17, $0x1;
	s7 =	sand.u32 $0xE00, s7  }
0xe: {  	s6 =	simm.s32 $0x4400;
	s15 =	sadd.s32 s1, s5;
	s0 =	sadd.s32 s7, s0  }
0xf: {  	s1 =	ssub.s32 s17, s4;
	s12 =	sadd.s32 $0x800, s15;
	[dreg:$0x4] =	wrdreg s0  }
0x10: {  	s17 =	simm.s32 $0x80;
	s13 =	sadd.s32 $0x1000, s15;
	[dreg:$0x5] =	wrdreg s12  }
0x11: {  	s4 =	simm.s32 $0x7;
	s14 =	sadd.s32 $0x1800, s15;
	[dreg:$0x6] =	wrdreg s13  }
0x12: {  	s5 =	simm.s32 $0x8;
	s16 =	sadd.s32 $0x2000, s15;
	[dreg:$0x7] =	wrdreg s14  }
0x13: {  	s18 =	sadd.s32 $0x2800, s15;
	s21 =	smax.u32 s1, $0x1;
	[dreg:$0x8] =	wrdreg s16  }
0x14: {  	s19 =	sadd.s32 $0x3000, s15;
	[dreg:$0x9] =	wrdreg s18;
	p1 =	sne.s32 s21, $0x1  }
.Ltmp0:
0x15: {  	s20 =	sadd.s32 $0x3800, s15;
	[dreg:$0xa] =	wrdreg s19;
	(pc) =	sbr.rel @!p1 .LBB2_3-.Ltmp0, $4  }
0x16: {  	s7 =	simm.s32 $0x400;
	[dreg:$0xb] =	wrdreg s20;
	s19 =	simm.s32 $0x8400  }
0x17: {  	s18 =	simm.s32 $0xC400;
	s16 =	simm.s32 $0x10400;
	s13 =	simm.s32 $0x14400  }
0x18: {  	s0 =	sadd.s32 $0xFFFFFFFF, s21;
	s21 =	simm.s32 $0x5;
	s20 =	simm.s32 $0x6  }
0x19: {  	s14 =	simm.s32 $0x9;
	s12 =	simm.s32 $0xA;
	s1 =	rddreg [dreg:$0x4]  }
0x1a: {  	[tilespmem:s2], [sflag:$0xD] =	stream.strided.gather [hbm4b:s1+s17], $0x400, s25, s17, $0x38;
	[tilespmem:$0x18400] =	vst v63  }
0x1b: {  	_ =	swait.ge [sflag:s28], $0x400  }
0x1c: {  	[sflag:s28] =	ssyncset.done $0x0  }
0x1d: {  	[sflag:s28] =	ssyncadd.s32 $0xFFFFFC00  }
0x1e: {  	[tilespmem:s7], [sflag:$0x1] =	stream.indirect.gather [hbm4b:s3+s17], $0x80, s2, s17, $0xb8;
	[tilespmem:$0x18400] =	vst v63  }
0x1f: {  	_ = 	snop  }
0x20: {  	[tilespmem:s6], [sflag:$0x2] =	stream.indirect.gather [hbm4b:s3+s17], $0x80, s17, s17, $0xb8;
	[tilespmem:$0x18400] =	vst v63  }
0x21: {  	_ = 	snop  }
0x22: {  	[tilespmem:s19], [sflag:$0x3] =	stream.indirect.gather [hbm4b:s3+s17], $0x80, s29, s17, $0xb8;
	[tilespmem:$0x18400] =	vst v63  }
0x23: {  	_ = 	snop  }
0x24: {  	[tilespmem:s18], [sflag:$0x4] =	stream.indirect.gather [hbm4b:s3+s17], $0x80, s30, s17, $0xb8;
	[tilespmem:$0x18400] =	vst v63  }
0x25: {  	_ = 	snop  }
0x26: {  	[tilespmem:s16], [sflag:$0x5] =	stream.indirect.gather [hbm4b:s3+s17], $0x80, s25, s17, $0xb8;
	[tilespmem:$0x18400] =	vst v63  }
0x27: {  	_ = 	snop  }
0x28: {  	[tilespmem:s13], [sflag:$0x6] =	stream.indirect.gather [hbm4b:s3+s17], $0x80, s31, s17, $0xb8;
	[tilespmem:$0x18400] =	vst v63  }
0x29: {  	_ =	swait.ge [sflag:s10], $0x4000  }
0x2a: {  	[sflag:s10] =	ssyncset.done $0x0  }
0x2b: {  	[sflag:s10] =	ssyncadd.s32 $0xFFFFC000  }
0x2c: {  	[hbm4b:s15+s2] =	stream.linear.scatter [tilespmem:s7], [sflag:$0x7], $0x4000, $0x38;
	[tilespmem:$0x18400] =	vst v63  }
0x2d: {  	_ =	swait.ge [sflag:s8], $0x4000  }
0x2e: {  	[sflag:s8] =	ssyncset.done $0x0  }
0x2f: {  	[sflag:s8] =	ssyncadd.s32 $0xFFFFC000  }
0x30: {  	_ =	swait.ge [sflag:s4], $0x4000  }
0x31: {  	[sflag:s4] =	ssyncset.done $0x0  }
0x32: {  	[sflag:s4] =	ssyncadd.s32 $0xFFFFC000  }
0x33: {  	[tilespmem:s7], [sflag:$0x1] =	stream.indirect.gather [hbm4b:s3+s17], $0x80, s26, s17, $0xb8;
	[tilespmem:$0x18400] =	vst v63  }
0x34: {  	s1 =	rddreg [dreg:$0x5]  }
0x35: {  	[hbm4b:s1+s2] =	stream.linear.scatter [tilespmem:s6], [sflag:$0x8], $0x4000, $0x38;
	[tilespmem:$0x18400] =	vst v63  }
0x36: {  	_ =	swait.ge [sflag:s24], $0x4000  }
0x37: {  	[sflag:s24] =	ssyncset.done $0x0  }
0x38: {  	[sflag:s24] =	ssyncadd.s32 $0xFFFFC000  }
0x39: {  	_ =	swait.ge [sflag:s5], $0x4000  }
0x3a: {  	[sflag:s5] =	ssyncset.done $0x0  }
0x3b: {  	[sflag:s5] =	ssyncadd.s32 $0xFFFFC000  }
0x3c: {  	[tilespmem:s6], [sflag:$0x2] =	stream.indirect.gather [hbm4b:s3+s17], $0x80, s23, s17, $0xb8;
	[tilespmem:$0x18400] =	vst v63  }
0x3d: {  	s1 =	rddreg [dreg:$0x6]  }
0x3e: {  	[hbm4b:s1+s2] =	stream.linear.scatter [tilespmem:s19], [sflag:$0x9], $0x4000, $0x38;
	[tilespmem:$0x18400] =	vst v63  }
0x3f: {  	_ =	swait.ge [sflag:s22], $0x4000  }
0x40: {  	[sflag:s22] =	ssyncset.done $0x0  }
0x41: {  	s1 =	rddreg [dreg:$0x7];
	[sflag:s22] =	ssyncadd.s32 $0xFFFFC000  }
0x42: {  	[hbm4b:s1+s2] =	stream.linear.scatter [tilespmem:s18], [sflag:$0xA], $0x4000, $0x38;
	[tilespmem:$0x18400] =	vst v63  }
0x43: {  	_ =	swait.ge [sflag:s21], $0x4000  }
0x44: {  	[sflag:s21] =	ssyncset.done $0x0  }
0x45: {  	s1 =	rddreg [dreg:$0x8];
	[sflag:s21] =	ssyncadd.s32 $0xFFFFC000  }
0x46: {  	[hbm4b:s1+s2] =	stream.linear.scatter [tilespmem:s16], [sflag:$0xB], $0x4000, $0x38;
	[tilespmem:$0x18400] =	vst v63  }
0x47: {  	_ =	swait.ge [sflag:s20], $0x4000  }
0x48: {  	[sflag:s20] =	ssyncset.done $0x0  }
0x49: {  	s1 =	rddreg [dreg:$0x9];
	[sflag:s20] =	ssyncadd.s32 $0xFFFFC000  }
0x4a: {  	[hbm4b:s1+s2] =	stream.linear.scatter [tilespmem:s13], [sflag:$0xC], $0x4000, $0x38;
	[tilespmem:$0x18400] =	vst v63  }
0x4b: {  	_ =	swait.ge [sflag:s10], $0x4000  }
0x4c: {  	[sflag:s10] =	ssyncset.done $0x0  }
0x4d: {  	s1 =	rddreg [dreg:$0xa];
	[sflag:s10] =	ssyncadd.s32 $0xFFFFC000  }
0x4e: {  	[hbm4b:s1+s2] =	stream.linear.scatter [tilespmem:s7], [sflag:$0x7], $0x4000, $0x38;
	[tilespmem:$0x18400] =	vst v63  }
0x4f: {  	_ =	swait.ge [sflag:s8], $0x4000  }
0x50: {  	[sflag:s8] =	ssyncset.done $0x0  }
0x51: {  	s1 =	rddreg [dreg:$0xb];
	[sflag:s8] =	ssyncadd.s32 $0xFFFFC000  }
0x52: {  	[hbm4b:s1+s2] =	stream.linear.scatter [tilespmem:s6], [sflag:$0x8], $0x4000, $0x38;
	[tilespmem:$0x18400] =	vst v63  }
0x53: {  	_ =	swait.ge [sflag:s14], $0x4000  }
0x54: {  	[sflag:s14] =	ssyncset.done $0x0  }
0x55: {  	[sflag:s14] =	ssyncadd.s32 $0xFFFFC000  }
0x56: {  	_ =	swait.ge [sflag:s12], $0x4000  }
0x57: {  	[sflag:s12] =	ssyncset.done $0x0  }
0x58: {  	[sflag:s12] =	ssyncadd.s32 $0xFFFFC000  }
0x59: {  	_ =	swait.ge [sflag:s11], $0x4000  }
0x5a: {  	[sflag:s11] =	ssyncset.done $0x0  }
0x5b: {  	[sflag:s11] =	ssyncadd.s32 $0xFFFFC000  }
0x5c: {  	_ =	swait.ge [sflag:s9], $0x4000  }
0x5d: {  	[sflag:s9] =	ssyncset.done $0x0  }
0x5e: {  	p1 =	sne.s32 s0, $0x1;
	[sflag:s9] =	ssyncadd.s32 $0xFFFFC000  }
.Ltmp1:
0x5f: {  	_ =	swait.ge [sflag:s4], $0x4000;
	(pc) =	sbr.rel @!p1 .LBB2_3-.Ltmp1, $4  }
0x60: {  	[sflag:s4] =	ssyncset.done $0x0  }
0x61: {  	[sflag:s4] =	ssyncadd.s32 $0xFFFFC000  }
0x62: {  	s0 =	sadd.s32 $0xFFFFFFFF, s0;
	_ =	swait.ge [sflag:s5], $0x4000  }
0x63: {  	p0 =	por $0x1, $0x1;
	s1 =	rddreg [dreg:$0x4];
	[sflag:s5] =	ssyncset.done $0x0  }
.LBB2_2:
0x64: {  	[sflag:s5] =	ssyncadd.s32 $0xFFFFC000  }
0x65: {  	[tilespmem:s2], [sflag:$0xD] =	stream.strided.gather [hbm4b:s1+s17], $0x400, s25, s17, $0x38;
	[tilespmem:$0x18400] =	vst v63  }
0x66: {  	_ =	swait.ge [sflag:s28], $0x400  }
0x67: {  	[sflag:s28] =	ssyncset.done $0x0  }
0x68: {  	[sflag:s28] =	ssyncadd.s32 $0xFFFFFC00  }
0x69: {  	[tilespmem:s7], [sflag:$0x1] =	stream.indirect.gather [hbm4b:s3+s17], $0x80, s2, s17, $0xb8;
	[tilespmem:$0x18400] =	vst v63  }
0x6a: {  	_ = 	snop  }
0x6b: {  	[tilespmem:s6], [sflag:$0x2] =	stream.indirect.gather [hbm4b:s3+s17], $0x80, s17, s17, $0xb8;
	[tilespmem:$0x18400] =	vst v63  }
0x6c: {  	_ = 	snop  }
0x6d: {  	[tilespmem:s19], [sflag:$0x3] =	stream.indirect.gather [hbm4b:s3+s17], $0x80, s29, s17, $0xb8;
	[tilespmem:$0x18400] =	vst v63  }
0x6e: {  	_ = 	snop  }
0x6f: {  	[tilespmem:s18], [sflag:$0x4] =	stream.indirect.gather [hbm4b:s3+s17], $0x80, s30, s17, $0xb8;
	[tilespmem:$0x18400] =	vst v63  }
0x70: {  	_ = 	snop  }
0x71: {  	[tilespmem:s16], [sflag:$0x5] =	stream.indirect.gather [hbm4b:s3+s17], $0x80, s25, s17, $0xb8;
	[tilespmem:$0x18400] =	vst v63  }
0x72: {  	_ = 	snop  }
0x73: {  	[tilespmem:s13], [sflag:$0x6] =	stream.indirect.gather [hbm4b:s3+s17], $0x80, s31, s17, $0xb8;
	[tilespmem:$0x18400] =	vst v63  }
0x74: {  	_ =	swait.ge [sflag:s10], $0x4000  }
0x75: {  	[sflag:s10] =	ssyncset.done $0x0  }
0x76: {  	[sflag:s10] =	ssyncadd.s32 $0xFFFFC000  }
0x77: {  	[hbm4b:s15+s2] =	stream.linear.scatter [tilespmem:s7], [sflag:$0x7], $0x4000, $0x38;
	[tilespmem:$0x18400] =	vst v63  }
0x78: {  	_ =	swait.ge [sflag:s8], $0x4000  }
0x79: {  	[sflag:s8] =	ssyncset.done $0x0  }
0x7a: {  	[sflag:s8] =	ssyncadd.s32 $0xFFFFC000  }
0x7b: {  	_ =	swait.ge [sflag:s4], $0x4000  }
0x7c: {  	[sflag:s4] =	ssyncset.done $0x0  }
0x7d: {  	[sflag:s4] =	ssyncadd.s32 $0xFFFFC000  }
0x7e: {  	[tilespmem:s7], [sflag:$0x1] =	stream.indirect.gather [hbm4b:s3+s17], $0x80, s26, s17, $0xb8;
	[tilespmem:$0x18400] =	vst v63  }
0x7f: {  	s1 =	rddreg [dreg:$0x5]  }
0x80: {  	[hbm4b:s1+s2] =	stream.linear.scatter [tilespmem:s6], [sflag:$0x8], $0x4000, $0x38;
	[tilespmem:$0x18400] =	vst v63  }
0x81: {  	_ =	swait.ge [sflag:s24], $0x4000  }
0x82: {  	[sflag:s24] =	ssyncset.done $0x0  }
0x83: {  	[sflag:s24] =	ssyncadd.s32 $0xFFFFC000  }
0x84: {  	_ =	swait.ge [sflag:s5], $0x4000  }
0x85: {  	[sflag:s5] =	ssyncset.done $0x0  }
0x86: {  	[sflag:s5] =	ssyncadd.s32 $0xFFFFC000  }
0x87: {  	[tilespmem:s6], [sflag:$0x2] =	stream.indirect.gather [hbm4b:s3+s17], $0x80, s23, s17, $0xb8;
	[tilespmem:$0x18400] =	vst v63  }
0x88: {  	s1 =	rddreg [dreg:$0x6]  }
0x89: {  	[hbm4b:s1+s2] =	stream.linear.scatter [tilespmem:s19], [sflag:$0x9], $0x4000, $0x38;
	[tilespmem:$0x18400] =	vst v63  }
0x8a: {  	_ =	swait.ge [sflag:s22], $0x4000  }
0x8b: {  	[sflag:s22] =	ssyncset.done $0x0  }
0x8c: {  	s1 =	rddreg [dreg:$0x7];
	[sflag:s22] =	ssyncadd.s32 $0xFFFFC000  }
0x8d: {  	[hbm4b:s1+s2] =	stream.linear.scatter [tilespmem:s18], [sflag:$0xA], $0x4000, $0x38;
	[tilespmem:$0x18400] =	vst v63  }
0x8e: {  	_ =	swait.ge [sflag:s21], $0x4000  }
0x8f: {  	[sflag:s21] =	ssyncset.done $0x0  }
0x90: {  	s1 =	rddreg [dreg:$0x8];
	[sflag:s21] =	ssyncadd.s32 $0xFFFFC000  }
0x91: {  	[hbm4b:s1+s2] =	stream.linear.scatter [tilespmem:s16], [sflag:$0xB], $0x4000, $0x38;
	[tilespmem:$0x18400] =	vst v63  }
0x92: {  	_ =	swait.ge [sflag:s20], $0x4000  }
0x93: {  	[sflag:s20] =	ssyncset.done $0x0  }
0x94: {  	s1 =	rddreg [dreg:$0x9];
	[sflag:s20] =	ssyncadd.s32 $0xFFFFC000  }
0x95: {  	[hbm4b:s1+s2] =	stream.linear.scatter [tilespmem:s13], [sflag:$0xC], $0x4000, $0x38;
	[tilespmem:$0x18400] =	vst v63  }
0x96: {  	_ =	swait.ge [sflag:s10], $0x4000  }
0x97: {  	[sflag:s10] =	ssyncset.done $0x0  }
0x98: {  	s1 =	rddreg [dreg:$0xa];
	[sflag:s10] =	ssyncadd.s32 $0xFFFFC000  }
0x99: {  	[hbm4b:s1+s2] =	stream.linear.scatter [tilespmem:s7], [sflag:$0x7], $0x4000, $0x38;
	[tilespmem:$0x18400] =	vst v63  }
0x9a: {  	_ =	swait.ge [sflag:s8], $0x4000  }
0x9b: {  	[sflag:s8] =	ssyncset.done $0x0  }
0x9c: {  	s1 =	rddreg [dreg:$0xb];
	[sflag:s8] =	ssyncadd.s32 $0xFFFFC000  }
0x9d: {  	[hbm4b:s1+s2] =	stream.linear.scatter [tilespmem:s6], [sflag:$0x8], $0x4000, $0x38;
	[tilespmem:$0x18400] =	vst v63  }
0x9e: {  	_ =	swait.ge [sflag:s14], $0x4000  }
0x9f: {  	[sflag:s14] =	ssyncset.done $0x0  }
0xa0: {  	[sflag:s14] =	ssyncadd.s32 $0xFFFFC000  }
0xa1: {  	_ =	swait.ge [sflag:s12], $0x4000  }
0xa2: {  	[sflag:s12] =	ssyncset.done $0x0  }
0xa3: {  	[sflag:s12] =	ssyncadd.s32 $0xFFFFC000  }
0xa4: {  	_ =	swait.ge [sflag:s11], $0x4000  }
0xa5: {  	[sflag:s11] =	ssyncset.done $0x0  }
0xa6: {  	[sflag:s11] =	ssyncadd.s32 $0xFFFFC000  }
0xa7: {  	_ =	swait.ge [sflag:s9], $0x4000  }
0xa8: {  	[sflag:s9] =	ssyncset.done $0x0  }
0xa9: {  	p1 =	sne.s32 s0, $0x1;
	[sflag:s9] =	ssyncadd.s32 $0xFFFFC000  }
.Ltmp2:
0xaa: {  	_ =	swait.ge [sflag:s4], $0x4000;
	(pc) =	sbr.rel @p1 .LBB2_2-.Ltmp2, $4  }
0xab: {  	[sflag:s4] =	ssyncset.done $0x0  }
0xac: {  	[sflag:s4] =	ssyncadd.s32 $0xFFFFC000  }
0xad: {  	_ =	swait.ge [sflag:s5], $0x4000  }
0xae: {  	s0 =	sadd.s32 $0xFFFFFFFF, s0;
	s1 =	rddreg [dreg:$0x4];
	[sflag:s5] =	ssyncset.done $0x0  }
.LBB2_3:
0xaf: {  	[sflag:s5] =	ssyncadd.s32 @p0 $0xFFFFC000  }
0xb0: {  	[tilespmem:s2], [sflag:$0xD] =	stream.strided.gather [hbm4b:s1+s17], $0x400, s25, s17, $0x38;
	[tilespmem:$0x18400] =	vst v63  }
0xb1: {  	_ =	swait.ge [sflag:s28], $0x400  }
0xb2: {  	[sflag:s28] =	ssyncset.done $0x0  }
0xb3: {  	[sflag:s28] =	ssyncadd.s32 $0xFFFFFC00  }
0xb4: {  	[tilespmem:s7], [sflag:$0x1] =	stream.indirect.gather [hbm4b:s3+s17], $0x80, s2, s17, $0xb8;
	[tilespmem:$0x18400] =	vst v63  }
0xb5: {  	_ = 	snop  }
0xb6: {  	[tilespmem:s6], [sflag:$0x2] =	stream.indirect.gather [hbm4b:s3+s17], $0x80, s17, s17, $0xb8;
	[tilespmem:$0x18400] =	vst v63  }
0xb7: {  	_ = 	snop  }
0xb8: {  	[tilespmem:s19], [sflag:$0x3] =	stream.indirect.gather [hbm4b:s3+s17], $0x80, s29, s17, $0xb8;
	[tilespmem:$0x18400] =	vst v63  }
0xb9: {  	_ = 	snop  }
0xba: {  	[tilespmem:s18], [sflag:$0x4] =	stream.indirect.gather [hbm4b:s3+s17], $0x80, s30, s17, $0xb8;
	[tilespmem:$0x18400] =	vst v63  }
0xbb: {  	_ = 	snop  }
0xbc: {  	[tilespmem:s16], [sflag:$0x5] =	stream.indirect.gather [hbm4b:s3+s17], $0x80, s25, s17, $0xb8;
	[tilespmem:$0x18400] =	vst v63  }
0xbd: {  	_ = 	snop  }
0xbe: {  	[tilespmem:s13], [sflag:$0x6] =	stream.indirect.gather [hbm4b:s3+s17], $0x80, s31, s17, $0xb8;
	[tilespmem:$0x18400] =	vst v63  }
0xbf: {  	_ =	swait.ge [sflag:s10], $0x4000  }
0xc0: {  	[sflag:s10] =	ssyncset.done $0x0  }
0xc1: {  	[sflag:s10] =	ssyncadd.s32 $0xFFFFC000  }
0xc2: {  	[hbm4b:s15+s2] =	stream.linear.scatter [tilespmem:s7], [sflag:$0x7], $0x4000, $0x38;
	[tilespmem:$0x18400] =	vst v63  }
0xc3: {  	_ =	swait.ge [sflag:s8], $0x4000  }
0xc4: {  	[sflag:s8] =	ssyncset.done $0x0  }
0xc5: {  	[sflag:s8] =	ssyncadd.s32 $0xFFFFC000  }
0xc6: {  	_ =	swait.ge [sflag:s4], $0x4000  }
0xc7: {  	[sflag:s4] =	ssyncset.done $0x0  }
0xc8: {  	[sflag:s4] =	ssyncadd.s32 $0xFFFFC000  }
0xc9: {  	[tilespmem:s7], [sflag:$0x1] =	stream.indirect.gather [hbm4b:s3+s17], $0x80, s26, s17, $0xb8;
	[tilespmem:$0x18400] =	vst v63  }
0xca: {  	s0 =	rddreg [dreg:$0x5]  }
0xcb: {  	[hbm4b:s0+s2] =	stream.linear.scatter [tilespmem:s6], [sflag:$0x8], $0x4000, $0x38;
	[tilespmem:$0x18400] =	vst v63  }
0xcc: {  	_ =	swait.ge [sflag:s24], $0x4000  }
0xcd: {  	[sflag:s24] =	ssyncset.done $0x0  }
0xce: {  	[sflag:s24] =	ssyncadd.s32 $0xFFFFC000  }
0xcf: {  	_ =	swait.ge [sflag:s5], $0x4000  }
0xd0: {  	[sflag:s5] =	ssyncset.done $0x0  }
0xd1: {  	[sflag:s5] =	ssyncadd.s32 $0xFFFFC000  }
0xd2: {  	[tilespmem:s6], [sflag:$0x2] =	stream.indirect.gather [hbm4b:s3+s17], $0x80, s23, s17, $0xb8;
	[tilespmem:$0x18400] =	vst v63  }
0xd3: {  	s24 =	rddreg [dreg:$0x6]  }
0xd4: {  	[hbm4b:s24+s2] =	stream.linear.scatter [tilespmem:s19], [sflag:$0x9], $0x4000, $0x38;
	[tilespmem:$0x18400] =	vst v63  }
0xd5: {  	_ =	swait.ge [sflag:s22], $0x4000  }
0xd6: {  	[sflag:s22] =	ssyncset.done $0x0  }
0xd7: {  	s25 =	rddreg [dreg:$0x7];
	[sflag:s22] =	ssyncadd.s32 $0xFFFFC000  }
0xd8: {  	[hbm4b:s25+s2] =	stream.linear.scatter [tilespmem:s18], [sflag:$0xA], $0x4000, $0x38;
	[tilespmem:$0x18400] =	vst v63  }
0xd9: {  	_ =	swait.ge [sflag:s21], $0x4000  }
0xda: {  	[sflag:s21] =	ssyncset.done $0x0  }
0xdb: {  	s26 =	rddreg [dreg:$0x8];
	[sflag:s21] =	ssyncadd.s32 $0xFFFFC000  }
0xdc: {  	[hbm4b:s26+s2] =	stream.linear.scatter [tilespmem:s16], [sflag:$0xB], $0x4000, $0x38;
	[tilespmem:$0x18400] =	vst v63  }
0xdd: {  	_ =	swait.ge [sflag:s20], $0x4000  }
0xde: {  	[sflag:s20] =	ssyncset.done $0x0  }
0xdf: {  	s28 =	rddreg [dreg:$0x9];
	[sflag:s20] =	ssyncadd.s32 $0xFFFFC000  }
0xe0: {  	[hbm4b:s28+s2] =	stream.linear.scatter [tilespmem:s13], [sflag:$0xC], $0x4000, $0x38;
	[tilespmem:$0x18400] =	vst v63  }
0xe1: {  	_ =	swait.ge [sflag:s10], $0x4000  }
0xe2: {  	[sflag:s10] =	ssyncset.done $0x0  }
0xe3: {  	s29 =	rddreg [dreg:$0xa];
	[sflag:s10] =	ssyncadd.s32 $0xFFFFC000  }
0xe4: {  	[hbm4b:s29+s2] =	stream.linear.scatter [tilespmem:s7], [sflag:$0x7], $0x4000, $0x38;
	[tilespmem:$0x18400] =	vst v63  }
0xe5: {  	_ =	swait.ge [sflag:s8], $0x4000  }
0xe6: {  	[sflag:s8] =	ssyncset.done $0x0  }
0xe7: {  	s30 =	rddreg [dreg:$0xb];
	[sflag:s8] =	ssyncadd.s32 $0xFFFFC000  }
0xe8: {  	[hbm4b:s30+s2] =	stream.linear.scatter [tilespmem:s6], [sflag:$0x8], $0x4000, $0x38;
	[tilespmem:$0x18400] =	vst v63  }
0xe9: {  	_ =	swait.ge [sflag:s14], $0x4000  }
0xea: {  	[sflag:s14] =	ssyncset.done $0x0  }
0xeb: {  	[sflag:s14] =	ssyncadd.s32 $0xFFFFC000  }
0xec: {  	_ =	swait.ge [sflag:s12], $0x4000  }
0xed: {  	[sflag:s12] =	ssyncset.done $0x0  }
0xee: {  	[sflag:s12] =	ssyncadd.s32 $0xFFFFC000  }
0xef: {  	_ =	swait.ge [sflag:s11], $0x4000  }
0xf0: {  	[sflag:s11] =	ssyncset.done $0x0  }
0xf1: {  	[sflag:s11] =	ssyncadd.s32 $0xFFFFC000  }
0xf2: {  	_ =	swait.ge [sflag:s9], $0x4000  }
0xf3: {  	[sflag:s9] =	ssyncset.done $0x0  }
0xf4: {  	[sflag:s9] =	ssyncadd.s32 $0xFFFFC000  }
0xf5: {  	_ =	swait.ge [sflag:s4], $0x4000  }
0xf6: {  	[sflag:s4] =	ssyncset.done $0x0  }
0xf7: {  	[sflag:s4] =	ssyncadd.s32 $0xFFFFC000  }
0xf8: {  	_ =	swait.ge [sflag:s5], $0x4000  }
0xf9: {  	[sflag:s5] =	ssyncset.done $0x0  }
0xfa: {  	[sflag:s5] =	ssyncadd.s32 $0xFFFFC000  }
0xfb: {  	_ =	sfence.sel $0x180000  }
0xfc: {  	[bflag:$0x0] =	sbarrier.arrive $0xFFFF  }
0xfd: {  	_ =	strace $0x90000047  }
0xfe: {  	s31 =	stileid.u32;
	[bflag:$0x2] =	sbarrier.arrive $0xFFFF  }
0xff: {  	p0 =	sne.s32 s31, $0x0;
	s0 =	rddreg [dreg:$0x3]  }
0x100: {  	s0 =	sadd.s32 @!p0 $0x100000, s0  }
0x101: {  	[sflag:s0] =	ssyncadd.tile.s32 @!p0 $0x1;
	_ =	shalt  }
.Lfunc_end2:
_tile_overlayer_lowered:
.L_overlay_start_2:
0x102: {  	(tag) =	ssettag $0x2  }
0x103: {  	s0 =	rddreg [dreg:$0x0];
	s2 =	stileid.u32  }
0x104: {  	s1 =	rddreg [dreg:$0x1];
	p0 =	sne.s32 s2, $0x0  }
0x105: {  	s3 =	rddreg [dreg:$0x2];
	[bflag:$0x3] =	sbarrier.arrive $0xFFFF;
	s2 =	simm.s32 @!p0 $0x1C0D  }
0x106: {  	[timem:s3], [sflag:s2] =	dma.local @!p0 [hbm:s0], s1  }
0x107: {  	s0 =	simm.s32 @!p0 $0xD  }
0x108: {  	_ =	swait.ge @!p0 [sflag:s0], s1  }
0x109: {  	s1 =	ssub.s32 @!p0 $0x0, s1;
	[sflag:s0] =	ssyncset.done @!p0 $0x0  }
0x10a: {  	[sflag:s0] =	ssyncadd.s32 @!p0 s1  }
0x10b: {  	[bflag:$0x3] =	sbarrier.arrive $0xFFFF  }
0x10c: {  	_ =	shalt  }

</sc_bundles>
